<compile_context>
chip_gen: v7x
topology: tpu7x:2x2x1
jax: 0.10.2.dev20260603
libtpu: 0.0.44.dev20260713+nightly
codegen_flags: <defaults>
</compile_context>

<pallas_src>
import functools

import jax
import jax.numpy as jnp
from jax import lax
from jax.experimental import pallas as pl
from jax.experimental.pallas import tpu as pltpu
from jax.experimental.pallas import tpu_sc as plsc

N = 8 * 224 * 224
ROWS = N // 128
BLOCK_ROWS = 64
GRID = ROWS // BLOCK_ROWS
NUM_BINS = 313
PAD_BINS = 320
GROUP = 16
BIG = 3.0e38


def _argmin_l2_body(centers_ref, ta_ref, tb_ref, pa_ref, pb_ref, bins_ref, l2_ref,
                    coef_ref):
    @pl.when(pl.program_id(0) == 0)
    def _prep():
        def pbody(j, carry):
            c_a = centers_ref[j, 0]
            c_b = centers_ref[j, 1]
            coef_ref[j, 0] = c_a * -256.0
            coef_ref[j, 1] = c_b * -256.0
            coef_ref[j, 2] = c_a * c_a + c_b * c_b
            return carry
        lax.fori_loop(0, NUM_BINS, pbody, 0)

        def padbody(j, carry):
            coef_ref[j, 0] = 0.0
            coef_ref[j, 1] = 0.0
            coef_ref[j, 2] = BIG
            return carry
        lax.fori_loop(NUM_BINS, PAD_BINS, padbody, 0)

    ta = ta_ref[...]
    tb = tb_ref[...]

    def score(j):
        return coef_ref[j, 2] + ta * coef_ref[j, 0] + tb * coef_ref[j, 1]

    def body(g, carry):
        mv, mi = carry
        base = g * GROUP
        vals = [score(base + k) for k in range(GROUP)]
        idxs = list(range(GROUP))
        while len(vals) > 1:
            nv, ni = [], []
            for i in range(0, len(vals), 2):
                take = vals[i + 1] < vals[i]
                nv.append(jnp.where(take, vals[i + 1], vals[i]))
                ni.append(jnp.where(take, idxs[i + 1], idxs[i]))
            vals, idxs = nv, ni
        jwin = idxs[0] + base
        upd = vals[0] < mv
        return jnp.where(upd, vals[0], mv), jnp.where(upd, jwin, mi)

    mv0 = jnp.full((BLOCK_ROWS, 128), BIG, jnp.float32)
    mi0 = jnp.zeros((BLOCK_ROWS, 128), jnp.int32)
    _, mi = lax.fori_loop(0, PAD_BINS // GROUP, body, (mv0, mi0), unroll=1)
    bins_ref[...] = mi
    l2_ref[...] = (pa_ref[...] - ta) ** 2 + (pb_ref[...] - tb) ** 2


def _run_argmin_l2(ta, tb, pa, pb, centers, rows):
    blk = pl.BlockSpec((BLOCK_ROWS, 128), lambda i: (i, 0))
    return pl.pallas_call(
        _argmin_l2_body,
        grid=(rows // BLOCK_ROWS,),
        in_specs=[
            pl.BlockSpec(memory_space=pltpu.SMEM),
            blk, blk, blk, blk,
        ],
        out_specs=[blk, blk],
        out_shape=[
            jax.ShapeDtypeStruct((rows, 128), jnp.int32),
            jax.ShapeDtypeStruct((rows, 128), jnp.float32),
        ],
        scratch_shapes=[pltpu.SMEM((PAD_BINS, 3), jnp.float32)],
        compiler_params=pltpu.CompilerParams(
            dimension_semantics=("arbitrary",),
        ),
    )(centers, ta, tb, pa, pb)


def _make_sc_gather_reduce(n):
    info = plsc.get_sparse_core_info()
    nc, ns, L = info.num_cores, info.num_subcores, info.num_lanes
    nw = nc * ns
    chunk = n // nw

    mesh = plsc.VectorSubcoreMesh(core_axis_name="c", subcore_axis_name="s")

    @functools.partial(
        pl.kernel,
        mesh=mesh,
        out_type=jax.ShapeDtypeStruct((nw * L,), jnp.float32),
        scratch_types=[
            pltpu.VMEM((chunk,), jnp.int32),
            pltpu.VMEM((chunk,), jnp.float32),
            pltpu.VMEM((NUM_BINS,), jnp.float32),
            pltpu.VMEM((L,), jnp.float32),
        ],
        compiler_params=pltpu.CompilerParams(needs_layout_passes=False),
    )
    def sc_gather_reduce(bins_hbm, l2_hbm, cw_hbm, out_hbm, idx_v, l2_v, cw_v, acc_v):
        wid = lax.axis_index("s") * nc + lax.axis_index("c")
        base = wid * chunk
        pltpu.sync_copy(cw_hbm, cw_v)
        pltpu.sync_copy(bins_hbm.at[pl.ds(base, chunk)], idx_v)
        pltpu.sync_copy(l2_hbm.at[pl.ds(base, chunk)], l2_v)

        def body(i, acc):
            iv = idx_v[pl.ds(i * L, L)]
            g = plsc.load_gather(cw_v, [iv])
            lv = l2_v[pl.ds(i * L, L)]
            return acc + g * lv

        acc = lax.fori_loop(0, chunk // L, body, jnp.zeros((L,), jnp.float32))
        acc_v[...] = acc
        pltpu.sync_copy(acc_v, out_hbm.at[pl.ds(wid * L, L)])

    return sc_gather_reduce, nw * L


def _finalize_body(p_ref, o_ref):
    o_ref[0, 0] = jnp.sum(p_ref[...]) * (1.0 / N)


def _run_finalize(partials2d):
    out = pl.pallas_call(
        _finalize_body,
        in_specs=[pl.BlockSpec(memory_space=pltpu.MemorySpace.VMEM)],
        out_specs=pl.BlockSpec(memory_space=pltpu.SMEM),
        out_shape=jax.ShapeDtypeStruct((1, 1), jnp.float32),
    )(partials2d)
    return out.reshape(())


def kernel(pred_ab, target_ab, ab_centers, class_weights):
    pa = pred_ab[:, 0, :, :].reshape(ROWS, 128)
    pb = pred_ab[:, 1, :, :].reshape(ROWS, 128)
    ta = target_ab[:, 0, :, :].reshape(ROWS, 128)
    tb = target_ab[:, 1, :, :].reshape(ROWS, 128)

    bins, l2 = _run_argmin_l2(ta, tb, pa, pb, ab_centers, ROWS)

    sc_fn, npart = _make_sc_gather_reduce(N)
    partials = sc_fn(bins.reshape(N), l2.reshape(N), class_weights)

    return _run_finalize(partials.reshape(npart // 128, 128))

# --- scband reference (transcript-rebuilt; emitter-appended) ---
"""Pipeline reference for scband-l2-loss-with-rebalancing-65335042506927 (READ-ONLY COPY).

The authoritative reference and input builder live on the scoring server;
editing this copy changes nothing except your own understanding.
"""

import jax, jax.numpy as jnp
import numpy as np


def setup_inputs(seed: int = 0) -> dict:
    key = jax.random.key(seed)
    k1, k2, k3, k4 = jax.random.split(key, 4)
    pred_ab = jax.random.normal(k1, (8, 2, 224, 224), dtype=jnp.float32)
    target_ab = jax.random.uniform(k2, (8, 2, 224, 224), dtype=jnp.float32)
    # buffers from init: ab_gamut.ab_gamut -> ab_centers [313,2], rebalancer.weights -> class_weights [313]
    ab_centers = jax.random.uniform(k3, (313, 2), minval=-110.0, maxval=110.0, dtype=jnp.float32)
    class_weights = jax.random.uniform(k4, (313,), minval=0.1, maxval=5.0, dtype=jnp.float32)
    return {"pred_ab": pred_ab, "target_ab": target_ab, "ab_centers": ab_centers, "class_weights": class_weights}


def reference(pred_ab, target_ab, ab_centers, class_weights):
    # pred and target spatial dims match, so the F.interpolate branch is not taken
    l2_loss = jnp.sum((pred_ab - target_ab) ** 2, axis=1)  # [B, H, W]
    # get_pixel_weights on denormalized target ab
    target_ab_denorm = target_ab * 128.0
    B, _, H, W = target_ab_denorm.shape
    ab_flat = jnp.transpose(target_ab_denorm, (0, 2, 3, 1)).reshape(-1, 2)  # [B*H*W, 2]
    diff = ab_flat[:, None, :] - ab_centers[None, :, :]  # [B*H*W, 313, 2]
    distances = jnp.sum(diff ** 2, axis=2)  # [B*H*W, 313]
    nearest_bins = jnp.argmin(distances, axis=1)  # [B*H*W]
    pixel_weights = class_weights[nearest_bins].reshape(B, H, W)
    l2_loss = l2_loss * pixel_weights
    return jnp.mean(l2_loss)

if __name__ == "__main__":
    import jax
    _d = setup_inputs()
    print(jax.jit(kernel)(*tuple(_d.values())))

</pallas_src>

<mosaic_0001>
#map = affine_map<(d0, d1) -> (0)>
module attributes {stable_mosaic.version = 14 : i64} {
  func.func @sc_gather_reduce(%arg0: i32, %arg1: i32, %arg2: memref<401408xi32, #tpu.memory_space<hbm>>, %arg3: memref<401408xf32, #tpu.memory_space<hbm>>, %arg4: memref<313xf32, #tpu.memory_space<hbm>>, %arg5: memref<512xf32, #tpu.memory_space<hbm>>, %arg6: memref<12544xi32, #tpu.memory_space<vmem>>, %arg7: memref<12544xf32, #tpu.memory_space<vmem>>, %arg8: memref<313xf32, #tpu.memory_space<vmem>>, %arg9: memref<16xf32, #tpu.memory_space<vmem>>) attributes {dimension_semantics = [#tpu.dimension_semantics<core_parallel>, #tpu.dimension_semantics<subcore_parallel>], iteration_bounds = array<i64: 2, 16>, scalar_prefetch = 0 : i64, scratch_operands = 4 : i64, tpu.core_type = #tpu.core_type<sc_vector_subcore>, window_params = [{transform_indices = #map}, {transform_indices = #map}, {transform_indices = #map}, {transform_indices = #map}]} {
    %mul3A = arith.constant 2 : i32
    %mul3A_0 = arith.muli %arg1, %mul3A : i32
    %add3A = arith.addi %mul3A_0, %arg0 : i32
    %mul3A_1 = arith.constant 12544 : i32
    %mul3A_2 = arith.muli %add3A, %mul3A_1 : i32
    "tpu.region"() ({
      %run_scoped3A = tpu.sem_alloc : memref<!tpu.dma_semaphore, #tpu.memory_space<semaphore_mem>>
      tpu.enqueue_dma source(%arg4 : memref<313xf32, #tpu.memory_space<hbm>>) target(%arg8 : memref<313xf32, #tpu.memory_space<vmem>>) target_semaphore(%run_scoped3A : memref<!tpu.dma_semaphore, #tpu.memory_space<semaphore_mem>>)
      tpu.wait_dma2 semaphore(%run_scoped3A : memref<!tpu.dma_semaphore, #tpu.memory_space<semaphore_mem>>) src(%arg4 : memref<313xf32, #tpu.memory_space<hbm>>) dst(%arg8 : memref<313xf32, #tpu.memory_space<vmem>>)
      tpu.yield
    }) : () -> ()
    "tpu.region"() ({
      %run_scoped3A = tpu.sem_alloc : memref<!tpu.dma_semaphore, #tpu.memory_space<semaphore_mem>>
      %dma_start3A = tpu.memref_slice %arg2[%mul3A_2] : memref<401408xi32, #tpu.memory_space<hbm>> -> memref<12544xi32, #tpu.memory_space<hbm>>
      %dma_start3A_12 = tpu.memref_slice %arg2[%mul3A_2] : memref<401408xi32, #tpu.memory_space<hbm>> -> memref<12544xi32, #tpu.memory_space<hbm>>
      tpu.enqueue_dma source(%dma_start3A_12 : memref<12544xi32, #tpu.memory_space<hbm>>) target(%arg6 : memref<12544xi32, #tpu.memory_space<vmem>>) target_semaphore(%run_scoped3A : memref<!tpu.dma_semaphore, #tpu.memory_space<semaphore_mem>>)
      %dma_wait3A = tpu.memref_slice %arg2[%mul3A_2] : memref<401408xi32, #tpu.memory_space<hbm>> -> memref<12544xi32, #tpu.memory_space<hbm>>
      %dma_wait3A_13 = tpu.memref_slice %arg2[%mul3A_2] : memref<401408xi32, #tpu.memory_space<hbm>> -> memref<12544xi32, #tpu.memory_space<hbm>>
      tpu.wait_dma2 semaphore(%run_scoped3A : memref<!tpu.dma_semaphore, #tpu.memory_space<semaphore_mem>>) src(%dma_wait3A_13 : memref<12544xi32, #tpu.memory_space<hbm>>) dst(%arg6 : memref<12544xi32, #tpu.memory_space<vmem>>)
      tpu.yield
    }) : () -> ()
    "tpu.region"() ({
      %run_scoped3A = tpu.sem_alloc : memref<!tpu.dma_semaphore, #tpu.memory_space<semaphore_mem>>
      %dma_start3A = tpu.memref_slice %arg3[%mul3A_2] : memref<401408xf32, #tpu.memory_space<hbm>> -> memref<12544xf32, #tpu.memory_space<hbm>>
      %dma_start3A_12 = tpu.memref_slice %arg3[%mul3A_2] : memref<401408xf32, #tpu.memory_space<hbm>> -> memref<12544xf32, #tpu.memory_space<hbm>>
      tpu.enqueue_dma source(%dma_start3A_12 : memref<12544xf32, #tpu.memory_space<hbm>>) target(%arg7 : memref<12544xf32, #tpu.memory_space<vmem>>) target_semaphore(%run_scoped3A : memref<!tpu.dma_semaphore, #tpu.memory_space<semaphore_mem>>)
      %dma_wait3A = tpu.memref_slice %arg3[%mul3A_2] : memref<401408xf32, #tpu.memory_space<hbm>> -> memref<12544xf32, #tpu.memory_space<hbm>>
      %dma_wait3A_13 = tpu.memref_slice %arg3[%mul3A_2] : memref<401408xf32, #tpu.memory_space<hbm>> -> memref<12544xf32, #tpu.memory_space<hbm>>
      tpu.wait_dma2 semaphore(%run_scoped3A : memref<!tpu.dma_semaphore, #tpu.memory_space<semaphore_mem>>) src(%dma_wait3A_13 : memref<12544xf32, #tpu.memory_space<hbm>>) dst(%arg7 : memref<12544xf32, #tpu.memory_space<vmem>>)
      tpu.yield
    }) : () -> ()
    %broadcast_in_dim3A = arith.constant 0.000000e+00 : f32
    %broadcast_in_dim3A_3 = vector.broadcast %broadcast_in_dim3A : f32 to vector<16xf32>
    %scan3A = arith.constant 0 : i32
    %scan3A_4 = arith.constant 784 : i32
    %scan3A_5 = arith.addi %scan3A, %scan3A_4 : i32
    %scan3A_6 = arith.constant 1 : i32
    %scan3A_7 = scf.for %scan3A_12 = %scan3A to %scan3A_5 step %scan3A_6 iter_args(%scan3A_13 = %broadcast_in_dim3A_3) -> (vector<16xf32>)  : i32 {
      %mul3A_14 = arith.constant 16 : i32
      %mul3A_15 = arith.muli %scan3A_12, %mul3A_14 : i32
      %get3A = arith.index_cast %mul3A_15 : i32 to index
      %get3A_16 = tpu.vector_load %arg6[%get3A] {strides = array<i32>} : memref<12544xi32, #tpu.memory_space<vmem>>, vector<16xi32>,
      %gather3A = tpu.vector_load_idx %arg8[%get3A_16] : memref<313xf32, #tpu.memory_space<vmem>>[vector<16xi32>], vector<16xf32>,
      %mul3A_17 = arith.constant 16 : i32
      %mul3A_18 = arith.muli %scan3A_12, %mul3A_17 : i32
      %get3A_19 = arith.index_cast %mul3A_18 : i32 to index
      %get3A_20 = tpu.vector_load %arg7[%get3A_19] {strides = array<i32>} : memref<12544xf32, #tpu.memory_space<vmem>>, vector<16xf32>,
      %mul3A_21 = arith.mulf %gather3A, %get3A_20 : vector<16xf32>
      %add3A_22 = arith.addf %scan3A_13, %mul3A_21 : vector<16xf32>
      scf.yield %add3A_22 : vector<16xf32>
    }
    %scan3A_8 = arith.constant 784 : i32
    %swap3A = arith.constant 0 : index
    %swap3A_9 = tpu.vector_load %arg9[%swap3A] {strides = array<i32>} : memref<16xf32, #tpu.memory_space<vmem>>, vector<16xf32>,
    tpu.vector_store %arg9[%swap3A], %scan3A_7 {strides = array<i32>} : memref<16xf32, #tpu.memory_space<vmem>>, vector<16xf32>,
    %mul3A_10 = arith.constant 16 : i32
    %mul3A_11 = arith.muli %add3A, %mul3A_10 : i32
    "tpu.region"() ({
      %run_scoped3A = tpu.sem_alloc : memref<!tpu.dma_semaphore, #tpu.memory_space<semaphore_mem>>
      %dma_start3A = tpu.memref_slice %arg5[%mul3A_11] : memref<512xf32, #tpu.memory_space<hbm>> -> memref<16xf32, #tpu.memory_space<hbm>>
      %dma_start3A_12 = tpu.memref_slice %arg5[%mul3A_11] : memref<512xf32, #tpu.memory_space<hbm>> -> memref<16xf32, #tpu.memory_space<hbm>>
      tpu.enqueue_dma source(%arg9 : memref<16xf32, #tpu.memory_space<vmem>>) target(%dma_start3A_12 : memref<16xf32, #tpu.memory_space<hbm>>) target_semaphore(%run_scoped3A : memref<!tpu.dma_semaphore, #tpu.memory_space<semaphore_mem>>)
      %dma_wait3A = tpu.memref_slice %arg5[%mul3A_11] : memref<512xf32, #tpu.memory_space<hbm>> -> memref<16xf32, #tpu.memory_space<hbm>>
      %dma_wait3A_13 = tpu.memref_slice %arg5[%mul3A_11] : memref<512xf32, #tpu.memory_space<hbm>> -> memref<16xf32, #tpu.memory_space<hbm>>
      tpu.wait_dma2 semaphore(%run_scoped3A : memref<!tpu.dma_semaphore, #tpu.memory_space<semaphore_mem>>) src(%arg9 : memref<16xf32, #tpu.memory_space<vmem>>) dst(%dma_wait3A_13 : memref<16xf32, #tpu.memory_space<hbm>>)
      tpu.yield
    }) : () -> ()
    return
  }
}

module attributes {stable_mosaic.version = 14 : i64} {
  func.func @_argmin_l2_body(%arg0: i32, %arg1: memref<313x2xf32, #tpu.memory_space<smem>>, %arg2: memref<64x128xf32, #tpu.memory_space<vmem>>, %arg3: memref<64x128xf32, #tpu.memory_space<vmem>>, %arg4: memref<64x128xf32, #tpu.memory_space<vmem>>, %arg5: memref<64x128xf32, #tpu.memory_space<vmem>>, %arg6: memref<64x128xi32, #tpu.memory_space<vmem>>, %arg7: memref<64x128xf32, #tpu.memory_space<vmem>>, %arg8: memref<320x3xf32, #tpu.memory_space<smem>>) attributes {dimension_semantics = [#tpu.dimension_semantics<arbitrary>], iteration_bounds = array<i64: 49>, scalar_prefetch = 0 : i64, scratch_operands = 1 : i64, tpu.core_type = #tpu.core_type<tc>, window_params = [{transform_indices = @transform_0, window_bounds = array<i64: 313, 2>}, {transform_indices = @transform_1, window_bounds = array<i64: 64, 128>}, {transform_indices = @transform_2, window_bounds = array<i64: 64, 128>}, {transform_indices = @transform_3, window_bounds = array<i64: 64, 128>}, {transform_indices = @transform_4, window_bounds = array<i64: 64, 128>}, {transform_indices = @transform_5, window_bounds = array<i64: 64, 128>}, {transform_indices = @transform_6, window_bounds = array<i64: 64, 128>}]} {
    %eq3A = arith.constant 0 : i32
    %eq3A_0 = arith.cmpi eq, %arg0, %eq3A : i32
    %convert_element_type3A = arith.extui %eq3A_0 : i1 to i32
    %cond3A = arith.constant 0 : i32
    %cond3A_1 = arith.cmpi ne, %convert_element_type3A, %cond3A : i32
    scf.if %cond3A_1 {
      %scan3A_28 = arith.constant 0 : i32
      %scan3A_29 = arith.constant 313 : i32
      %scan3A_30 = arith.addi %scan3A_28, %scan3A_29 : i32
      %scan3A_31 = arith.constant 1 : i32
      scf.for %scan3A_38 = %scan3A_28 to %scan3A_30 step %scan3A_31  : i32 {
        %get3A_39 = arith.index_cast %scan3A_38 : i32 to index
        %get3A_40 = arith.constant 0 : index
        %get3A_41 = memref.load %arg1[%get3A_39, %get3A_40] : memref<313x2xf32, #tpu.memory_space<smem>>
        %get3A_42 = arith.index_cast %scan3A_38 : i32 to index
        %get3A_43 = arith.constant 1 : index
        %get3A_44 = memref.load %arg1[%get3A_42, %get3A_43] : memref<313x2xf32, #tpu.memory_space<smem>>
        %mul3A = arith.constant -2.560000e+02 : f32
        %mul3A_45 = arith.mulf %get3A_41, %mul3A : f32
        %swap3A_46 = arith.index_cast %scan3A_38 : i32 to index
        %swap3A_47 = arith.constant 0 : index
        %swap3A_48 = memref.load %arg8[%swap3A_46, %swap3A_47] : memref<320x3xf32, #tpu.memory_space<smem>>
        memref.store %mul3A_45, %arg8[%swap3A_46, %swap3A_47] : memref<320x3xf32, #tpu.memory_space<smem>>
        %mul3A_49 = arith.constant -2.560000e+02 : f32
        %mul3A_50 = arith.mulf %get3A_44, %mul3A_49 : f32
        %swap3A_51 = arith.index_cast %scan3A_38 : i32 to index
        %swap3A_52 = arith.constant 1 : index
        %swap3A_53 = memref.load %arg8[%swap3A_51, %swap3A_52] : memref<320x3xf32, #tpu.memory_space<smem>>
        memref.store %mul3A_50, %arg8[%swap3A_51, %swap3A_52] : memref<320x3xf32, #tpu.memory_space<smem>>
        %mul3A_54 = arith.mulf %get3A_41, %get3A_41 : f32
        %mul3A_55 = arith.mulf %get3A_44, %get3A_44 : f32
        %add3A_56 = arith.addf %mul3A_54, %mul3A_55 : f32
        %swap3A_57 = arith.index_cast %scan3A_38 : i32 to index
        %swap3A_58 = arith.constant 2 : index
        %swap3A_59 = memref.load %arg8[%swap3A_57, %swap3A_58] : memref<320x3xf32, #tpu.memory_space<smem>>
        memref.store %add3A_56, %arg8[%swap3A_57, %swap3A_58] : memref<320x3xf32, #tpu.memory_space<smem>>
      }
      %scan3A_32 = arith.constant 313 : i32
      %scan3A_33 = arith.constant 313 : i32
      %scan3A_34 = arith.constant 7 : i32
      %scan3A_35 = arith.addi %scan3A_33, %scan3A_34 : i32
      %scan3A_36 = arith.constant 1 : i32
      scf.for %scan3A_38 = %scan3A_33 to %scan3A_35 step %scan3A_36  : i32 {
        %swap3A_39 = arith.constant 0.000000e+00 : f32
        %swap3A_40 = arith.index_cast %scan3A_38 : i32 to index
        %swap3A_41 = arith.constant 0 : index
        %swap3A_42 = memref.load %arg8[%swap3A_40, %swap3A_41] : memref<320x3xf32, #tpu.memory_space<smem>>
        memref.store %swap3A_39, %arg8[%swap3A_40, %swap3A_41] : memref<320x3xf32, #tpu.memory_space<smem>>
        %swap3A_43 = arith.constant 0.000000e+00 : f32
        %swap3A_44 = arith.index_cast %scan3A_38 : i32 to index
        %swap3A_45 = arith.constant 1 : index
        %swap3A_46 = memref.load %arg8[%swap3A_44, %swap3A_45] : memref<320x3xf32, #tpu.memory_space<smem>>
        memref.store %swap3A_43, %arg8[%swap3A_44, %swap3A_45] : memref<320x3xf32, #tpu.memory_space<smem>>
        %swap3A_47 = arith.constant 3.000000e+38 : f32
        %swap3A_48 = arith.index_cast %scan3A_38 : i32 to index
        %swap3A_49 = arith.constant 2 : index
        %swap3A_50 = memref.load %arg8[%swap3A_48, %swap3A_49] : memref<320x3xf32, #tpu.memory_space<smem>>
        memref.store %swap3A_47, %arg8[%swap3A_48, %swap3A_49] : memref<320x3xf32, #tpu.memory_space<smem>>
      }
      %scan3A_37 = arith.constant 7 : i32
    } else {
    }
    %get3A = arith.constant 0 : index
    %get3A_2 = arith.constant 0 : index
    %get3A_3 = vector.load %arg2[%get3A, %get3A_2] : memref<64x128xf32, #tpu.memory_space<vmem>>, vector<64x128xf32>
    %get3A_4 = arith.constant 0 : index
    %get3A_5 = arith.constant 0 : index
    %get3A_6 = vector.load %arg3[%get3A_4, %get3A_5] : memref<64x128xf32, #tpu.memory_space<vmem>>, vector<64x128xf32>
    %broadcast_in_dim3A = arith.constant 3.000000e+38 : f32
    %broadcast_in_dim3A_7 = vector.broadcast %broadcast_in_dim3A : f32 to vector<64x128xf32>
    %broadcast_in_dim3A_8 = arith.constant 0 : i32
    %broadcast_in_dim3A_9 = vector.broadcast %broadcast_in_dim3A_8 : i32 to vector<64x128xi32>
    %scan3A = arith.constant 0 : i32
    %scan3A_10 = arith.constant 20 : i32
    %scan3A_11 = arith.addi %scan3A, %scan3A_10 : i32
    %scan3A_12 = arith.constant 1 : i32
    %scan3A_13:2 = scf.for %scan3A_28 = %scan3A to %scan3A_11 step %scan3A_12 iter_args(%scan3A_29 = %broadcast_in_dim3A_7, %scan3A_30 = %broadcast_in_dim3A_9) -> (vector<64x128xf32>, vector<64x128xi32>)  : i32 {
      %mul3A = arith.constant 16 : i32
      %mul3A_31 = arith.muli %scan3A_28, %mul3A : i32
      %add3A_32 = arith.constant 0 : i32
      %add3A_33 = arith.addi %mul3A_31, %add3A_32 : i32
      %get3A_34 = arith.index_cast %add3A_33 : i32 to index
      %get3A_35 = arith.constant 2 : index
      %get3A_36 = memref.load %arg8[%get3A_34, %get3A_35] : memref<320x3xf32, #tpu.memory_space<smem>>
      %get3A_37 = arith.index_cast %add3A_33 : i32 to index
      %get3A_38 = arith.constant 0 : index
      %get3A_39 = memref.load %arg8[%get3A_37, %get3A_38] : memref<320x3xf32, #tpu.memory_space<smem>>
      %mul3A_40 = vector.broadcast %get3A_39 : f32 to vector<64x128xf32>
      %mul3A_41 = arith.mulf %get3A_3, %mul3A_40 : vector<64x128xf32>
      %add3A_42 = vector.broadcast %get3A_36 : f32 to vector<64x128xf32>
      %add3A_43 = arith.addf %add3A_42, %mul3A_41 : vector<64x128xf32>
      %get3A_44 = arith.index_cast %add3A_33 : i32 to index
      %get3A_45 = arith.constant 1 : index
      %get3A_46 = memref.load %arg8[%get3A_44, %get3A_45] : memref<320x3xf32, #tpu.memory_space<smem>>
      %mul3A_47 = vector.broadcast %get3A_46 : f32 to vector<64x128xf32>
      %mul3A_48 = arith.mulf %get3A_6, %mul3A_47 : vector<64x128xf32>
      %add3A_49 = arith.addf %add3A_43, %mul3A_48 : vector<64x128xf32>
      %add3A_50 = arith.constant 1 : i32
      %add3A_51 = arith.addi %mul3A_31, %add3A_50 : i32
      %get3A_52 = arith.index_cast %add3A_51 : i32 to index
      %get3A_53 = arith.constant 2 : index
      %get3A_54 = memref.load %arg8[%get3A_52, %get3A_53] : memref<320x3xf32, #tpu.memory_space<smem>>
      %get3A_55 = arith.index_cast %add3A_51 : i32 to index
      %get3A_56 = arith.constant 0 : index
      %get3A_57 = memref.load %arg8[%get3A_55, %get3A_56] : memref<320x3xf32, #tpu.memory_space<smem>>
      %mul3A_58 = vector.broadcast %get3A_57 : f32 to vector<64x128xf32>
      %mul3A_59 = arith.mulf %get3A_3, %mul3A_58 : vector<64x128xf32>
      %add3A_60 = vector.broadcast %get3A_54 : f32 to vector<64x128xf32>
      %add3A_61 = arith.addf %add3A_60, %mul3A_59 : vector<64x128xf32>
      %get3A_62 = arith.index_cast %add3A_51 : i32 to index
      %get3A_63 = arith.constant 1 : index
      %get3A_64 = memref.load %arg8[%get3A_62, %get3A_63] : memref<320x3xf32, #tpu.memory_space<smem>>
      %mul3A_65 = vector.broadcast %get3A_64 : f32 to vector<64x128xf32>
      %mul3A_66 = arith.mulf %get3A_6, %mul3A_65 : vector<64x128xf32>
      %add3A_67 = arith.addf %add3A_61, %mul3A_66 : vector<64x128xf32>
      %add3A_68 = arith.constant 2 : i32
      %add3A_69 = arith.addi %mul3A_31, %add3A_68 : i32
      %get3A_70 = arith.index_cast %add3A_69 : i32 to index
      %get3A_71 = arith.constant 2 : index
      %get3A_72 = memref.load %arg8[%get3A_70, %get3A_71] : memref<320x3xf32, #tpu.memory_space<smem>>
      %get3A_73 = arith.index_cast %add3A_69 : i32 to index
      %get3A_74 = arith.constant 0 : index
      %get3A_75 = memref.load %arg8[%get3A_73, %get3A_74] : memref<320x3xf32, #tpu.memory_space<smem>>
      %mul3A_76 = vector.broadcast %get3A_75 : f32 to vector<64x128xf32>
      %mul3A_77 = arith.mulf %get3A_3, %mul3A_76 : vector<64x128xf32>
      %add3A_78 = vector.broadcast %get3A_72 : f32 to vector<64x128xf32>
      %add3A_79 = arith.addf %add3A_78, %mul3A_77 : vector<64x128xf32>
      %get3A_80 = arith.index_cast %add3A_69 : i32 to index
      %get3A_81 = arith.constant 1 : index
      %get3A_82 = memref.load %arg8[%get3A_80, %get3A_81] : memref<320x3xf32, #tpu.memory_space<smem>>
      %mul3A_83 = vector.broadcast %get3A_82 : f32 to vector<64x128xf32>
      %mul3A_84 = arith.mulf %get3A_6, %mul3A_83 : vector<64x128xf32>
      %add3A_85 = arith.addf %add3A_79, %mul3A_84 : vector<64x128xf32>
      %add3A_86 = arith.constant 3 : i32
      %add3A_87 = arith.addi %mul3A_31, %add3A_86 : i32
      %get3A_88 = arith.index_cast %add3A_87 : i32 to index
      %get3A_89 = arith.constant 2 : index
      %get3A_90 = memref.load %arg8[%get3A_88, %get3A_89] : memref<320x3xf32, #tpu.memory_space<smem>>
      %get3A_91 = arith.index_cast %add3A_87 : i32 to index
      %get3A_92 = arith.constant 0 : index
      %get3A_93 = memref.load %arg8[%get3A_91, %get3A_92] : memref<320x3xf32, #tpu.memory_space<smem>>
      %mul3A_94 = vector.broadcast %get3A_93 : f32 to vector<64x128xf32>
      %mul3A_95 = arith.mulf %get3A_3, %mul3A_94 : vector<64x128xf32>
      %add3A_96 = vector.broadcast %get3A_90 : f32 to vector<64x128xf32>
      %add3A_97 = arith.addf %add3A_96, %mul3A_95 : vector<64x128xf32>
      %get3A_98 = arith.index_cast %add3A_87 : i32 to index
      %get3A_99 = arith.constant 1 : index
      %get3A_100 = memref.load %arg8[%get3A_98, %get3A_99] : memref<320x3xf32, #tpu.memory_space<smem>>
      %mul3A_101 = vector.broadcast %get3A_100 : f32 to vector<64x128xf32>
      %mul3A_102 = arith.mulf %get3A_6, %mul3A_101 : vector<64x128xf32>
      %add3A_103 = arith.addf %add3A_97, %mul3A_102 : vector<64x128xf32>
      %add3A_104 = arith.constant 4 : i32
      %add3A_105 = arith.addi %mul3A_31, %add3A_104 : i32
      %get3A_106 = arith.index_cast %add3A_105 : i32 to index
      %get3A_107 = arith.constant 2 : index
      %get3A_108 = memref.load %arg8[%get3A_106, %get3A_107] : memref<320x3xf32, #tpu.memory_space<smem>>
      %get3A_109 = arith.index_cast %add3A_105 : i32 to index
      %get3A_110 = arith.constant 0 : index
      %get3A_111 = memref.load %arg8[%get3A_109, %get3A_110] : memref<320x3xf32, #tpu.memory_space<smem>>
      %mul3A_112 = vector.broadcast %get3A_111 : f32 to vector<64x128xf32>
      %mul3A_113 = arith.mulf %get3A_3, %mul3A_112 : vector<64x128xf32>
      %add3A_114 = vector.broadcast %get3A_108 : f32 to vector<64x128xf32>
      %add3A_115 = arith.addf %add3A_114, %mul3A_113 : vector<64x128xf32>
      %get3A_116 = arith.index_cast %add3A_105 : i32 to index
      %get3A_117 = arith.constant 1 : index
      %get3A_118 = memref.load %arg8[%get3A_116, %get3A_117] : memref<320x3xf32, #tpu.memory_space<smem>>
      %mul3A_119 = vector.broadcast %get3A_118 : f32 to vector<64x128xf32>
      %mul3A_120 = arith.mulf %get3A_6, %mul3A_119 : vector<64x128xf32>
      %add3A_121 = arith.addf %add3A_115, %mul3A_120 : vector<64x128xf32>
      %add3A_122 = arith.constant 5 : i32
      %add3A_123 = arith.addi %mul3A_31, %add3A_122 : i32
      %get3A_124 = arith.index_cast %add3A_123 : i32 to index
      %get3A_125 = arith.constant 2 : index
      %get3A_126 = memref.load %arg8[%get3A_124, %get3A_125] : memref<320x3xf32, #tpu.memory_space<smem>>
      %get3A_127 = arith.index_cast %add3A_123 : i32 to index
      %get3A_128 = arith.constant 0 : index
      %get3A_129 = memref.load %arg8[%get3A_127, %get3A_128] : memref<320x3xf32, #tpu.memory_space<smem>>
      %mul3A_130 = vector.broadcast %get3A_129 : f32 to vector<64x128xf32>
      %mul3A_131 = arith.mulf %get3A_3, %mul3A_130 : vector<64x128xf32>
      %add3A_132 = vector.broadcast %get3A_126 : f32 to vector<64x128xf32>
      %add3A_133 = arith.addf %add3A_132, %mul3A_131 : vector<64x128xf32>
      %get3A_134 = arith.index_cast %add3A_123 : i32 to index
      %get3A_135 = arith.constant 1 : index
      %get3A_136 = memref.load %arg8[%get3A_134, %get3A_135] : memref<320x3xf32, #tpu.memory_space<smem>>
      %mul3A_137 = vector.broadcast %get3A_136 : f32 to vector<64x128xf32>
      %mul3A_138 = arith.mulf %get3A_6, %mul3A_137 : vector<64x128xf32>
      %add3A_139 = arith.addf %add3A_133, %mul3A_138 : vector<64x128xf32>
      %add3A_140 = arith.constant 6 : i32
      %add3A_141 = arith.addi %mul3A_31, %add3A_140 : i32
      %get3A_142 = arith.index_cast %add3A_141 : i32 to index
      %get3A_143 = arith.constant 2 : index
      %get3A_144 = memref.load %arg8[%get3A_142, %get3A_143] : memref<320x3xf32, #tpu.memory_space<smem>>
      %get3A_145 = arith.index_cast %add3A_141 : i32 to index
      %get3A_146 = arith.constant 0 : index
      %get3A_147 = memref.load %arg8[%get3A_145, %get3A_146] : memref<320x3xf32, #tpu.memory_space<smem>>
      %mul3A_148 = vector.broadcast %get3A_147 : f32 to vector<64x128xf32>
      %mul3A_149 = arith.mulf %get3A_3, %mul3A_148 : vector<64x128xf32>
      %add3A_150 = vector.broadcast %get3A_144 : f32 to vector<64x128xf32>
      %add3A_151 = arith.addf %add3A_150, %mul3A_149 : vector<64x128xf32>
      %get3A_152 = arith.index_cast %add3A_141 : i32 to index
      %get3A_153 = arith.constant 1 : index
      %get3A_154 = memref.load %arg8[%get3A_152, %get3A_153] : memref<320x3xf32, #tpu.memory_space<smem>>
      %mul3A_155 = vector.broadcast %get3A_154 : f32 to vector<64x128xf32>
      %mul3A_156 = arith.mulf %get3A_6, %mul3A_155 : vector<64x128xf32>
      %add3A_157 = arith.addf %add3A_151, %mul3A_156 : vector<64x128xf32>
      %add3A_158 = arith.constant 7 : i32
      %add3A_159 = arith.addi %mul3A_31, %add3A_158 : i32
      %get3A_160 = arith.index_cast %add3A_159 : i32 to index
      %get3A_161 = arith.constant 2 : index
      %get3A_162 = memref.load %arg8[%get3A_160, %get3A_161] : memref<320x3xf32, #tpu.memory_space<smem>>
      %get3A_163 = arith.index_cast %add3A_159 : i32 to index
      %get3A_164 = arith.constant 0 : index
      %get3A_165 = memref.load %arg8[%get3A_163, %get3A_164] : memref<320x3xf32, #tpu.memory_space<smem>>
      %mul3A_166 = vector.broadcast %get3A_165 : f32 to vector<64x128xf32>
      %mul3A_167 = arith.mulf %get3A_3, %mul3A_166 : vector<64x128xf32>
      %add3A_168 = vector.broadcast %get3A_162 : f32 to vector<64x128xf32>
      %add3A_169 = arith.addf %add3A_168, %mul3A_167 : vector<64x128xf32>
      %get3A_170 = arith.index_cast %add3A_159 : i32 to index
      %get3A_171 = arith.constant 1 : index
      %get3A_172 = memref.load %arg8[%get3A_170, %get3A_171] : memref<320x3xf32, #tpu.memory_space<smem>>
      %mul3A_173 = vector.broadcast %get3A_172 : f32 to vector<64x128xf32>
      %mul3A_174 = arith.mulf %get3A_6, %mul3A_173 : vector<64x128xf32>
      %add3A_175 = arith.addf %add3A_169, %mul3A_174 : vector<64x128xf32>
      %add3A_176 = arith.constant 8 : i32
      %add3A_177 = arith.addi %mul3A_31, %add3A_176 : i32
      %get3A_178 = arith.index_cast %add3A_177 : i32 to index
      %get3A_179 = arith.constant 2 : index
      %get3A_180 = memref.load %arg8[%get3A_178, %get3A_179] : memref<320x3xf32, #tpu.memory_space<smem>>
      %get3A_181 = arith.index_cast %add3A_177 : i32 to index
      %get3A_182 = arith.constant 0 : index
      %get3A_183 = memref.load %arg8[%get3A_181, %get3A_182] : memref<320x3xf32, #tpu.memory_space<smem>>
      %mul3A_184 = vector.broadcast %get3A_183 : f32 to vector<64x128xf32>
      %mul3A_185 = arith.mulf %get3A_3, %mul3A_184 : vector<64x128xf32>
      %add3A_186 = vector.broadcast %get3A_180 : f32 to vector<64x128xf32>
      %add3A_187 = arith.addf %add3A_186, %mul3A_185 : vector<64x128xf32>
      %get3A_188 = arith.index_cast %add3A_177 : i32 to index
      %get3A_189 = arith.constant 1 : index
      %get3A_190 = memref.load %arg8[%get3A_188, %get3A_189] : memref<320x3xf32, #tpu.memory_space<smem>>
      %mul3A_191 = vector.broadcast %get3A_190 : f32 to vector<64x128xf32>
      %mul3A_192 = arith.mulf %get3A_6, %mul3A_191 : vector<64x128xf32>
      %add3A_193 = arith.addf %add3A_187, %mul3A_192 : vector<64x128xf32>
      %add3A_194 = arith.constant 9 : i32
      %add3A_195 = arith.addi %mul3A_31, %add3A_194 : i32
      %get3A_196 = arith.index_cast %add3A_195 : i32 to index
      %get3A_197 = arith.constant 2 : index
      %get3A_198 = memref.load %arg8[%get3A_196, %get3A_197] : memref<320x3xf32, #tpu.memory_space<smem>>
      %get3A_199 = arith.index_cast %add3A_195 : i32 to index
      %get3A_200 = arith.constant 0 : index
      %get3A_201 = memref.load %arg8[%get3A_199, %get3A_200] : memref<320x3xf32, #tpu.memory_space<smem>>
      %mul3A_202 = vector.broadcast %get3A_201 : f32 to vector<64x128xf32>
      %mul3A_203 = arith.mulf %get3A_3, %mul3A_202 : vector<64x128xf32>
      %add3A_204 = vector.broadcast %get3A_198 : f32 to vector<64x128xf32>
      %add3A_205 = arith.addf %add3A_204, %mul3A_203 : vector<64x128xf32>
      %get3A_206 = arith.index_cast %add3A_195 : i32 to index
      %get3A_207 = arith.constant 1 : index
      %get3A_208 = memref.load %arg8[%get3A_206, %get3A_207] : memref<320x3xf32, #tpu.memory_space<smem>>
      %mul3A_209 = vector.broadcast %get3A_208 : f32 to vector<64x128xf32>
      %mul3A_210 = arith.mulf %get3A_6, %mul3A_209 : vector<64x128xf32>
      %add3A_211 = arith.addf %add3A_205, %mul3A_210 : vector<64x128xf32>
      %add3A_212 = arith.constant 10 : i32
      %add3A_213 = arith.addi %mul3A_31, %add3A_212 : i32
      %get3A_214 = arith.index_cast %add3A_213 : i32 to index
      %get3A_215 = arith.constant 2 : index
      %get3A_216 = memref.load %arg8[%get3A_214, %get3A_215] : memref<320x3xf32, #tpu.memory_space<smem>>
      %get3A_217 = arith.index_cast %add3A_213 : i32 to index
      %get3A_218 = arith.constant 0 : index
      %get3A_219 = memref.load %arg8[%get3A_217, %get3A_218] : memref<320x3xf32, #tpu.memory_space<smem>>
      %mul3A_220 = vector.broadcast %get3A_219 : f32 to vector<64x128xf32>
      %mul3A_221 = arith.mulf %get3A_3, %mul3A_220 : vector<64x128xf32>
      %add3A_222 = vector.broadcast %get3A_216 : f32 to vector<64x128xf32>
      %add3A_223 = arith.addf %add3A_222, %mul3A_221 : vector<64x128xf32>
      %get3A_224 = arith.index_cast %add3A_213 : i32 to index
      %get3A_225 = arith.constant 1 : index
      %get3A_226 = memref.load %arg8[%get3A_224, %get3A_225] : memref<320x3xf32, #tpu.memory_space<smem>>
      %mul3A_227 = vector.broadcast %get3A_226 : f32 to vector<64x128xf32>
      %mul3A_228 = arith.mulf %get3A_6, %mul3A_227 : vector<64x128xf32>
      %add3A_229 = arith.addf %add3A_223, %mul3A_228 : vector<64x128xf32>
      %add3A_230 = arith.constant 11 : i32
      %add3A_231 = arith.addi %mul3A_31, %add3A_230 : i32
      %get3A_232 = arith.index_cast %add3A_231 : i32 to index
      %get3A_233 = arith.constant 2 : index
      %get3A_234 = memref.load %arg8[%get3A_232, %get3A_233] : memref<320x3xf32, #tpu.memory_space<smem>>
      %get3A_235 = arith.index_cast %add3A_231 : i32 to index
      %get3A_236 = arith.constant 0 : index
      %get3A_237 = memref.load %arg8[%get3A_235, %get3A_236] : memref<320x3xf32, #tpu.memory_space<smem>>
      %mul3A_238 = vector.broadcast %get3A_237 : f32 to vector<64x128xf32>
      %mul3A_239 = arith.mulf %get3A_3, %mul3A_238 : vector<64x128xf32>
      %add3A_240 = vector.broadcast %get3A_234 : f32 to vector<64x128xf32>
      %add3A_241 = arith.addf %add3A_240, %mul3A_239 : vector<64x128xf32>
      %get3A_242 = arith.index_cast %add3A_231 : i32 to index
      %get3A_243 = arith.constant 1 : index
      %get3A_244 = memref.load %arg8[%get3A_242, %get3A_243] : memref<320x3xf32, #tpu.memory_space<smem>>
      %mul3A_245 = vector.broadcast %get3A_244 : f32 to vector<64x128xf32>
      %mul3A_246 = arith.mulf %get3A_6, %mul3A_245 : vector<64x128xf32>
      %add3A_247 = arith.addf %add3A_241, %mul3A_246 : vector<64x128xf32>
      %add3A_248 = arith.constant 12 : i32
      %add3A_249 = arith.addi %mul3A_31, %add3A_248 : i32
      %get3A_250 = arith.index_cast %add3A_249 : i32 to index
      %get3A_251 = arith.constant 2 : index
      %get3A_252 = memref.load %arg8[%get3A_250, %get3A_251] : memref<320x3xf32, #tpu.memory_space<smem>>
      %get3A_253 = arith.index_cast %add3A_249 : i32 to index
      %get3A_254 = arith.constant 0 : index
      %get3A_255 = memref.load %arg8[%get3A_253, %get3A_254] : memref<320x3xf32, #tpu.memory_space<smem>>
      %mul3A_256 = vector.broadcast %get3A_255 : f32 to vector<64x128xf32>
      %mul3A_257 = arith.mulf %get3A_3, %mul3A_256 : vector<64x128xf32>
      %add3A_258 = vector.broadcast %get3A_252 : f32 to vector<64x128xf32>
      %add3A_259 = arith.addf %add3A_258, %mul3A_257 : vector<64x128xf32>
      %get3A_260 = arith.index_cast %add3A_249 : i32 to index
      %get3A_261 = arith.constant 1 : index
      %get3A_262 = memref.load %arg8[%get3A_260, %get3A_261] : memref<320x3xf32, #tpu.memory_space<smem>>
      %mul3A_263 = vector.broadcast %get3A_262 : f32 to vector<64x128xf32>
      %mul3A_264 = arith.mulf %get3A_6, %mul3A_263 : vector<64x128xf32>
      %add3A_265 = arith.addf %add3A_259, %mul3A_264 : vector<64x128xf32>
      %add3A_266 = arith.constant 13 : i32
      %add3A_267 = arith.addi %mul3A_31, %add3A_266 : i32
      %get3A_268 = arith.index_cast %add3A_267 : i32 to index
      %get3A_269 = arith.constant 2 : index
      %get3A_270 = memref.load %arg8[%get3A_268, %get3A_269] : memref<320x3xf32, #tpu.memory_space<smem>>
      %get3A_271 = arith.index_cast %add3A_267 : i32 to index
      %get3A_272 = arith.constant 0 : index
      %get3A_273 = memref.load %arg8[%get3A_271, %get3A_272] : memref<320x3xf32, #tpu.memory_space<smem>>
      %mul3A_274 = vector.broadcast %get3A_273 : f32 to vector<64x128xf32>
      %mul3A_275 = arith.mulf %get3A_3, %mul3A_274 : vector<64x128xf32>
      %add3A_276 = vector.broadcast %get3A_270 : f32 to vector<64x128xf32>
      %add3A_277 = arith.addf %add3A_276, %mul3A_275 : vector<64x128xf32>
      %get3A_278 = arith.index_cast %add3A_267 : i32 to index
      %get3A_279 = arith.constant 1 : index
      %get3A_280 = memref.load %arg8[%get3A_278, %get3A_279] : memref<320x3xf32, #tpu.memory_space<smem>>
      %mul3A_281 = vector.broadcast %get3A_280 : f32 to vector<64x128xf32>
      %mul3A_282 = arith.mulf %get3A_6, %mul3A_281 : vector<64x128xf32>
      %add3A_283 = arith.addf %add3A_277, %mul3A_282 : vector<64x128xf32>
      %add3A_284 = arith.constant 14 : i32
      %add3A_285 = arith.addi %mul3A_31, %add3A_284 : i32
      %get3A_286 = arith.index_cast %add3A_285 : i32 to index
      %get3A_287 = arith.constant 2 : index
      %get3A_288 = memref.load %arg8[%get3A_286, %get3A_287] : memref<320x3xf32, #tpu.memory_space<smem>>
      %get3A_289 = arith.index_cast %add3A_285 : i32 to index
      %get3A_290 = arith.constant 0 : index
      %get3A_291 = memref.load %arg8[%get3A_289, %get3A_290] : memref<320x3xf32, #tpu.memory_space<smem>>
      %mul3A_292 = vector.broadcast %get3A_291 : f32 to vector<64x128xf32>
      %mul3A_293 = arith.mulf %get3A_3, %mul3A_292 : vector<64x128xf32>
      %add3A_294 = vector.broadcast %get3A_288 : f32 to vector<64x128xf32>
      %add3A_295 = arith.addf %add3A_294, %mul3A_293 : vector<64x128xf32>
      %get3A_296 = arith.index_cast %add3A_285 : i32 to index
      %get3A_297 = arith.constant 1 : index
      %get3A_298 = memref.load %arg8[%get3A_296, %get3A_297] : memref<320x3xf32, #tpu.memory_space<smem>>
      %mul3A_299 = vector.broadcast %get3A_298 : f32 to vector<64x128xf32>
      %mul3A_300 = arith.mulf %get3A_6, %mul3A_299 : vector<64x128xf32>
      %add3A_301 = arith.addf %add3A_295, %mul3A_300 : vector<64x128xf32>
      %add3A_302 = arith.constant 15 : i32
      %add3A_303 = arith.addi %mul3A_31, %add3A_302 : i32
      %get3A_304 = arith.index_cast %add3A_303 : i32 to index
      %get3A_305 = arith.constant 2 : index
      %get3A_306 = memref.load %arg8[%get3A_304, %get3A_305] : memref<320x3xf32, #tpu.memory_space<smem>>
      %get3A_307 = arith.index_cast %add3A_303 : i32 to index
      %get3A_308 = arith.constant 0 : index
      %get3A_309 = memref.load %arg8[%get3A_307, %get3A_308] : memref<320x3xf32, #tpu.memory_space<smem>>
      %mul3A_310 = vector.broadcast %get3A_309 : f32 to vector<64x128xf32>
      %mul3A_311 = arith.mulf %get3A_3, %mul3A_310 : vector<64x128xf32>
      %add3A_312 = vector.broadcast %get3A_306 : f32 to vector<64x128xf32>
      %add3A_313 = arith.addf %add3A_312, %mul3A_311 : vector<64x128xf32>
      %get3A_314 = arith.index_cast %add3A_303 : i32 to index
      %get3A_315 = arith.constant 1 : index
      %get3A_316 = memref.load %arg8[%get3A_314, %get3A_315] : memref<320x3xf32, #tpu.memory_space<smem>>
      %mul3A_317 = vector.broadcast %get3A_316 : f32 to vector<64x128xf32>
      %mul3A_318 = arith.mulf %get3A_6, %mul3A_317 : vector<64x128xf32>
      %add3A_319 = arith.addf %add3A_313, %mul3A_318 : vector<64x128xf32>
      %lt3A = arith.cmpf olt, %add3A_67, %add3A_49 : vector<64x128xf32>
      %select_n3A = arith.select %lt3A, %add3A_67, %add3A_49 : vector<64x128xi1>, vector<64x128xf32>
      %jit3A = arith.constant 1 : i32
      %jit3A_320 = arith.constant 0 : i32
      %broadcast_in_dim3A_321 = vector.broadcast %jit3A : i32 to vector<64x128xi32>
      %broadcast_in_dim3A_322 = vector.broadcast %jit3A_320 : i32 to vector<64x128xi32>
      %select_n3A_323 = arith.select %lt3A, %broadcast_in_dim3A_321, %broadcast_in_dim3A_322 : vector<64x128xi1>, vector<64x128xi32>
      %lt3A_324 = arith.cmpf olt, %add3A_103, %add3A_85 : vector<64x128xf32>
      %select_n3A_325 = arith.select %lt3A_324, %add3A_103, %add3A_85 : vector<64x128xi1>, vector<64x128xf32>
      %jit3A_326 = arith.constant 3 : i32
      %jit3A_327 = arith.constant 2 : i32
      %broadcast_in_dim3A_328 = vector.broadcast %jit3A_326 : i32 to vector<64x128xi32>
      %broadcast_in_dim3A_329 = vector.broadcast %jit3A_327 : i32 to vector<64x128xi32>
      %select_n3A_330 = arith.select %lt3A_324, %broadcast_in_dim3A_328, %broadcast_in_dim3A_329 : vector<64x128xi1>, vector<64x128xi32>
      %lt3A_331 = arith.cmpf olt, %add3A_139, %add3A_121 : vector<64x128xf32>
      %select_n3A_332 = arith.select %lt3A_331, %add3A_139, %add3A_121 : vector<64x128xi1>, vector<64x128xf32>
      %jit3A_333 = arith.constant 5 : i32
      %jit3A_334 = arith.constant 4 : i32
      %broadcast_in_dim3A_335 = vector.broadcast %jit3A_333 : i32 to vector<64x128xi32>
      %broadcast_in_dim3A_336 = vector.broadcast %jit3A_334 : i32 to vector<64x128xi32>
      %select_n3A_337 = arith.select %lt3A_331, %broadcast_in_dim3A_335, %broadcast_in_dim3A_336 : vector<64x128xi1>, vector<64x128xi32>
      %lt3A_338 = arith.cmpf olt, %add3A_175, %add3A_157 : vector<64x128xf32>
      %select_n3A_339 = arith.select %lt3A_338, %add3A_175, %add3A_157 : vector<64x128xi1>, vector<64x128xf32>
      %jit3A_340 = arith.constant 7 : i32
      %jit3A_341 = arith.constant 6 : i32
      %broadcast_in_dim3A_342 = vector.broadcast %jit3A_340 : i32 to vector<64x128xi32>
      %broadcast_in_dim3A_343 = vector.broadcast %jit3A_341 : i32 to vector<64x128xi32>
      %select_n3A_344 = arith.select %lt3A_338, %broadcast_in_dim3A_342, %broadcast_in_dim3A_343 : vector<64x128xi1>, vector<64x128xi32>
      %lt3A_345 = arith.cmpf olt, %add3A_211, %add3A_193 : vector<64x128xf32>
      %select_n3A_346 = arith.select %lt3A_345, %add3A_211, %add3A_193 : vector<64x128xi1>, vector<64x128xf32>
      %jit3A_347 = arith.constant 9 : i32
      %jit3A_348 = arith.constant 8 : i32
      %broadcast_in_dim3A_349 = vector.broadcast %jit3A_347 : i32 to vector<64x128xi32>
      %broadcast_in_dim3A_350 = vector.broadcast %jit3A_348 : i32 to vector<64x128xi32>
      %select_n3A_351 = arith.select %lt3A_345, %broadcast_in_dim3A_349, %broadcast_in_dim3A_350 : vector<64x128xi1>, vector<64x128xi32>
      %lt3A_352 = arith.cmpf olt, %add3A_247, %add3A_229 : vector<64x128xf32>
      %select_n3A_353 = arith.select %lt3A_352, %add3A_247, %add3A_229 : vector<64x128xi1>, vector<64x128xf32>
      %jit3A_354 = arith.constant 11 : i32
      %jit3A_355 = arith.constant 10 : i32
      %broadcast_in_dim3A_356 = vector.broadcast %jit3A_354 : i32 to vector<64x128xi32>
      %broadcast_in_dim3A_357 = vector.broadcast %jit3A_355 : i32 to vector<64x128xi32>
      %select_n3A_358 = arith.select %lt3A_352, %broadcast_in_dim3A_356, %broadcast_in_dim3A_357 : vector<64x128xi1>, vector<64x128xi32>
      %lt3A_359 = arith.cmpf olt, %add3A_283, %add3A_265 : vector<64x128xf32>
      %select_n3A_360 = arith.select %lt3A_359, %add3A_283, %add3A_265 : vector<64x128xi1>, vector<64x128xf32>
      %jit3A_361 = arith.constant 13 : i32
      %jit3A_362 = arith.constant 12 : i32
      %broadcast_in_dim3A_363 = vector.broadcast %jit3A_361 : i32 to vector<64x128xi32>
      %broadcast_in_dim3A_364 = vector.broadcast %jit3A_362 : i32 to vector<64x128xi32>
      %select_n3A_365 = arith.select %lt3A_359, %broadcast_in_dim3A_363, %broadcast_in_dim3A_364 : vector<64x128xi1>, vector<64x128xi32>
      %lt3A_366 = arith.cmpf olt, %add3A_319, %add3A_301 : vector<64x128xf32>
      %select_n3A_367 = arith.select %lt3A_366, %add3A_319, %add3A_301 : vector<64x128xi1>, vector<64x128xf32>
      %jit3A_368 = arith.constant 15 : i32
      %jit3A_369 = arith.constant 14 : i32
      %broadcast_in_dim3A_370 = vector.broadcast %jit3A_368 : i32 to vector<64x128xi32>
      %broadcast_in_dim3A_371 = vector.broadcast %jit3A_369 : i32 to vector<64x128xi32>
      %select_n3A_372 = arith.select %lt3A_366, %broadcast_in_dim3A_370, %broadcast_in_dim3A_371 : vector<64x128xi1>, vector<64x128xi32>
      %lt3A_373 = arith.cmpf olt, %select_n3A_325, %select_n3A : vector<64x128xf32>
      %select_n3A_374 = arith.select %lt3A_373, %select_n3A_325, %select_n3A : vector<64x128xi1>, vector<64x128xf32>
      %select_n3A_375 = arith.select %lt3A_373, %select_n3A_330, %select_n3A_323 : vector<64x128xi1>, vector<64x128xi32>
      %lt3A_376 = arith.cmpf olt, %select_n3A_339, %select_n3A_332 : vector<64x128xf32>
      %select_n3A_377 = arith.select %lt3A_376, %select_n3A_339, %select_n3A_332 : vector<64x128xi1>, vector<64x128xf32>
      %select_n3A_378 = arith.select %lt3A_376, %select_n3A_344, %select_n3A_337 : vector<64x128xi1>, vector<64x128xi32>
      %lt3A_379 = arith.cmpf olt, %select_n3A_353, %select_n3A_346 : vector<64x128xf32>
      %select_n3A_380 = arith.select %lt3A_379, %select_n3A_353, %select_n3A_346 : vector<64x128xi1>, vector<64x128xf32>
      %select_n3A_381 = arith.select %lt3A_379, %select_n3A_358, %select_n3A_351 : vector<64x128xi1>, vector<64x128xi32>
      %lt3A_382 = arith.cmpf olt, %select_n3A_367, %select_n3A_360 : vector<64x128xf32>
      %select_n3A_383 = arith.select %lt3A_382, %select_n3A_367, %select_n3A_360 : vector<64x128xi1>, vector<64x128xf32>
      %select_n3A_384 = arith.select %lt3A_382, %select_n3A_372, %select_n3A_365 : vector<64x128xi1>, vector<64x128xi32>
      %lt3A_385 = arith.cmpf olt, %select_n3A_377, %select_n3A_374 : vector<64x128xf32>
      %select_n3A_386 = arith.select %lt3A_385, %select_n3A_377, %select_n3A_374 : vector<64x128xi1>, vector<64x128xf32>
      %select_n3A_387 = arith.select %lt3A_385, %select_n3A_378, %select_n3A_375 : vector<64x128xi1>, vector<64x128xi32>
      %lt3A_388 = arith.cmpf olt, %select_n3A_383, %select_n3A_380 : vector<64x128xf32>
      %select_n3A_389 = arith.select %lt3A_388, %select_n3A_383, %select_n3A_380 : vector<64x128xi1>, vector<64x128xf32>
      %select_n3A_390 = arith.select %lt3A_388, %select_n3A_384, %select_n3A_381 : vector<64x128xi1>, vector<64x128xi32>
      %lt3A_391 = arith.cmpf olt, %select_n3A_389, %select_n3A_386 : vector<64x128xf32>
      %select_n3A_392 = arith.select %lt3A_391, %select_n3A_389, %select_n3A_386 : vector<64x128xi1>, vector<64x128xf32>
      %select_n3A_393 = arith.select %lt3A_391, %select_n3A_390, %select_n3A_387 : vector<64x128xi1>, vector<64x128xi32>
      %add3A_394 = vector.broadcast %mul3A_31 : i32 to vector<64x128xi32>
      %add3A_395 = arith.addi %select_n3A_393, %add3A_394 : vector<64x128xi32>
      %lt3A_396 = arith.cmpf olt, %select_n3A_392, %scan3A_29 : vector<64x128xf32>
      %select_n3A_397 = arith.select %lt3A_396, %select_n3A_392, %scan3A_29 : vector<64x128xi1>, vector<64x128xf32>
      %select_n3A_398 = arith.select %lt3A_396, %add3A_395, %scan3A_30 : vector<64x128xi1>, vector<64x128xi32>
      scf.yield %select_n3A_397, %select_n3A_398 : vector<64x128xf32>, vector<64x128xi32>
    }
    %scan3A_14 = arith.constant 20 : i32
    %swap3A = arith.constant 0 : index
    %swap3A_15 = arith.constant 0 : index
    %swap3A_16 = vector.load %arg6[%swap3A, %swap3A_15] : memref<64x128xi32, #tpu.memory_space<vmem>>, vector<64x128xi32>
    tpu.vector_store %arg6[%swap3A, %swap3A_15], %scan3A_13#1 {strides = array<i32>} : memref<64x128xi32, #tpu.memory_space<vmem>>, vector<64x128xi32>,
    %get3A_17 = arith.constant 0 : index
    %get3A_18 = arith.constant 0 : index
    %get3A_19 = vector.load %arg4[%get3A_17, %get3A_18] : memref<64x128xf32, #tpu.memory_space<vmem>>, vector<64x128xf32>
    %sub3A = arith.subf %get3A_19, %get3A_3 : vector<64x128xf32>
    %integer_pow3A = arith.mulf %sub3A, %sub3A : vector<64x128xf32>
    %get3A_20 = arith.constant 0 : index
    %get3A_21 = arith.constant 0 : index
    %get3A_22 = vector.load %arg5[%get3A_20, %get3A_21] : memref<64x128xf32, #tpu.memory_space<vmem>>, vector<64x128xf32>
    %sub3A_23 = arith.subf %get3A_22, %get3A_6 : vector<64x128xf32>
    %integer_pow3A_24 = arith.mulf %sub3A_23, %sub3A_23 : vector<64x128xf32>
    %add3A = arith.addf %integer_pow3A, %integer_pow3A_24 : vector<64x128xf32>
    %swap3A_25 = arith.constant 0 : index
    %swap3A_26 = arith.constant 0 : index
    %swap3A_27 = vector.load %arg7[%swap3A_25, %swap3A_26] : memref<64x128xf32, #tpu.memory_space<vmem>>, vector<64x128xf32>
    tpu.vector_store %arg7[%swap3A_25, %swap3A_26], %add3A {strides = array<i32>} : memref<64x128xf32, #tpu.memory_space<vmem>>, vector<64x128xf32>,
    return
  }
  func.func @transform_0(%arg0: i32) -> (i32, i32) {
    %c0_i32 = arith.constant 0 : i32
    %c0_i32_0 = arith.constant 0 : i32
    %c0_i32_1 = arith.constant 0 : i32
    return %c0_i32, %c0_i32_0 : i32, i32
  }
  func.func @transform_1(%arg0: i32) -> (i32, i32) {
    %c0_i32 = arith.constant 0 : i32
    %c0_i32_0 = arith.constant 0 : i32
    return %arg0, %c0_i32 : i32, i32
  }
  func.func @transform_2(%arg0: i32) -> (i32, i32) {
    %c0_i32 = arith.constant 0 : i32
    %c0_i32_0 = arith.constant 0 : i32
    return %arg0, %c0_i32 : i32, i32
  }
  func.func @transform_3(%arg0: i32) -> (i32, i32) {
    %c0_i32 = arith.constant 0 : i32
    %c0_i32_0 = arith.constant 0 : i32
    return %arg0, %c0_i32 : i32, i32
  }
  func.func @transform_4(%arg0: i32) -> (i32, i32) {
    %c0_i32 = arith.constant 0 : i32
    %c0_i32_0 = arith.constant 0 : i32
    return %arg0, %c0_i32 : i32, i32
  }
  func.func @transform_5(%arg0: i32) -> (i32, i32) {
    %c0_i32 = arith.constant 0 : i32
    %c0_i32_0 = arith.constant 0 : i32
    return %arg0, %c0_i32 : i32, i32
  }
  func.func @transform_6(%arg0: i32) -> (i32, i32) {
    %c0_i32 = arith.constant 0 : i32
    %c0_i32_0 = arith.constant 0 : i32
    return %arg0, %c0_i32 : i32, i32
  }
}

module attributes {stable_mosaic.version = 14 : i64} {
  func.func @_finalize_body(%arg0: memref<4x128xf32, #tpu.memory_space<vmem>>, %arg1: memref<1x1xf32, #tpu.memory_space<smem>>) attributes {dimension_semantics = [], scalar_prefetch = 0 : i64, scratch_operands = 0 : i64, tpu.core_type = #tpu.core_type<tc>} {
    %get3A = arith.constant 0 : index
    %get3A_0 = arith.constant 0 : index
    %get3A_1 = vector.load %arg0[%get3A, %get3A_0] : memref<4x128xf32, #tpu.memory_space<vmem>>, vector<4x128xf32>
    %reduce_sum3A = vector.shape_cast %get3A_1 : vector<4x128xf32> to vector<1x4x128xf32>
    %reduce_sum3A_2 = arith.constant dense<0.000000e+00> : vector<1xf32>
    %reduce_sum3A_3 = vector.multi_reduction <add>, %reduce_sum3A, %reduce_sum3A_2 [1, 2] : vector<1x4x128xf32> to vector<1xf32>
    %reduce_sum3A_4 = vector.shape_cast %reduce_sum3A_3 : vector<1xf32> to vector<1x1x1xf32>
    %reduce_sum3A_5 = vector.extract %reduce_sum3A_4[0, 0, 0] : f32 from vector<1x1x1xf32>
    %mul3A = arith.constant 2.49123082E-6 : f32
    %mul3A_6 = arith.mulf %reduce_sum3A_5, %mul3A : f32
    %swap3A = arith.constant 0 : index
    %swap3A_7 = arith.constant 0 : index
    %swap3A_8 = memref.load %arg1[%swap3A, %swap3A_7] : memref<1x1xf32, #tpu.memory_space<smem>>
    memref.store %mul3A_6, %arg1[%swap3A, %swap3A_7] : memref<1x1xf32, #tpu.memory_space<smem>>
    return
  }
}

</mosaic_0001>

<sc_bundles>
// kernel: kernel.5.cloned.1.call-start
scs
__scs_entry_jumppad:
0x0: {  	(pc) =	sbr.rel $0x88, $3  }
0x1: {  	(tag) =	ssettag $0x0;
	lr =	simm.s32 $0x1  }
0x2: {  	[smem:$0x3F9D] =	sst lr;
	_ =	strace $0xD0000000  }
0x3: {  	_ = 	snop  }
0x4: {  	_ = 	snop  }
0x5: {  	_ = 	snop  }
0x6: {  	_ = 	snop  }
0x7: {  	_ = 	snop  }
__scs_overlays_trampoline_lowered:
0x8: {  	[smem:$0x3FAC] =	sst s0  }
0x9: {  	[smem:$0x3FAD] =	sst s1  }
0xa: {  	[smem:$0x3FAE] =	sst s2  }
0xb: {  	[smem:$0x3FAF] =	sst s3  }
0xc: {  	[smem:$0x3FB0] =	sst s4  }
0xd: {  	[smem:$0x3FB1] =	sst s5  }
0xe: {  	[smem:$0x3FB2] =	sst s6  }
0xf: {  	[smem:$0x3FB3] =	sst s7  }
0x10: {  	[smem:$0x3FB4] =	sst s8  }
0x11: {  	[smem:$0x3FB5] =	sst s9;
	s0 =	simm.s32 @!p0 $0x0  }
0x12: {  	s1 =	sld [smem:$0x3F9B];
	s0 =	simm.s32 @p0 $0x1  }
0x13: {  	[smem:$0x3FB6] =	sst s0;
	s0 =	simm.s32 @!p1 $0x0  }
0x14: {  	s2 =	sld [smem:$0x3F9A];
	s0 =	simm.s32 @p1 $0x1  }
0x15: {  	[smem:$0x3FB7] =	sst s0;
	s0 =	simm.s32 @!p2 $0x0  }
0x16: {  	s3 =	sld [smem:$0x3FDB];
	s0 =	simm.s32 @p2 $0x1  }
0x17: {  	s4 =	simm.s32 $0x1BF5;
	[smem:$0x3FB9] =	sst s0  }
0x18: {  	s0 =	sld [smem:$0x3F9C];
	_ =	swait.ge [sflag:s4], $0x0  }
0x19: {  	s7 =	sld [smem:$0x3F9D]  }
0x1a: {  	s8 =	sadd.s32 $0xFFFFE003, lr  }
0x1b: {  	s9 =	sadd.s32 $0xFFFFFEF7, lr;
	s5 =	simm.s32 $0xFFFFFFFF;
	p2 =	slt.u32 s8, $0xFFFFF086  }
0x1c: {  	p1 =	slt.u32 s9, $0xF7A;
	s5 =	simm.s32 @!p2 $0x0  }
0x1d: {  	s5 =	simm.s32 @p1 $0x1;
	p0 =	seq.s32 s7, s2  }
0x1e: {  	s7 =	smul.u32 @!p0 $0xF7A, s2;
	p2 =	seq.s32 @!p0 s5, $0x0  }
0x1f: {  	s9 =	smul.u32 $0xF7A, s1;
	s8 =	simm.s32 @!p0 $0x1BF5;
	p2 =	por !p2, p0  }
0x20: {  	[sflag:s8] =	ssyncset.s32 @!p0 $0xFFFFF086;
	s6 =	sadd.s32 @!p0 s3, s7;
	s7 =	simm.s32 @!p0 $0x108  }
0x21: {  	s3 =	sadd.s32 s3, s9;
	s6 =	sadd.s32 @!p0 $0x88, s6;
	s7 =	simm.s32 @p2 $0x1082  }
0x22: {  	[simem:s7], [sflag:s8] =	dma.local @!p0 [hbm:s6], $0xF7A  }
0x23: {  	s9 =	sor.u32 $0xD0000000, s2;
	s6 =	simm.s32 $0x108;
	_ =	swait.ge @!p0 [sflag:s8], $0x0  }
0x24: {  	s3 =	sadd.s32 $0x88, s3;
	s6 =	simm.s32 @!p1 $0x1082;
	[sflag:s4] =	ssyncset.s32 $0xFFFFF086  }
0x25: {  	[simem:s6], [sflag:s4] =	dma.local [hbm:s3], $0xF7A  }
0x26: {  	[smem:$0x3F9D] =	sst s1;
	(tag) =	ssettag s2;
	_ =	strace s9  }
0x27: {  	s1 =	sld [smem:$0x3FAD]  }
0x28: {  	s2 =	sld [smem:$0x3FAE]  }
0x29: {  	s4 =	sld [smem:$0x3FB0]  }
0x2a: {  	p0 =	seq.s32 s5, $0x0;
	s5 =	sld [smem:$0x3FB1]  }
0x2b: {  	s6 =	sld [smem:$0x3FB2]  }
0x2c: {  	s7 =	sld [smem:$0x3FB3]  }
0x2d: {  	s3 =	simm.s32 $0x108;
	s8 =	sld [smem:$0x3FB4]  }
0x2e: {  	s3 =	simm.s32 @!p0 $0x1082;
	s9 =	sld [smem:$0x3FB5]  }
0x2f: {  	lr =	sadd.s32 s0, s3;
	s0 =	sld [smem:$0x3FAC]  }
0x30: {  	s3 =	sld [smem:$0x3FAF]  }
0x31: {  	[smem:$0x3FB8] =	sst s10  }
0x32: {  	s10 =	sld [smem:$0x3FB6];
	_ =	sdelay $0x3  }
0x33: {  	p0 =	seq.s32 s10, $0x1;
	s10 =	sld [smem:$0x3FB8];
	_ =	sdelay $0x3  }
0x34: {  	[smem:$0x3FB8] =	sst s10  }
0x35: {  	s10 =	sld [smem:$0x3FB7];
	_ =	sdelay $0x3  }
0x36: {  	p1 =	seq.s32 s10, $0x1;
	s10 =	sld [smem:$0x3FB8];
	_ =	sdelay $0x3  }
0x37: {  	[smem:$0x3FB8] =	sst s10  }
0x38: {  	s10 =	sld [smem:$0x3FB9]  }
0x39: {  	_ = 	snop;
	(pc) =	sbr.ind lr, $3  }
0x3a: {  	_ = 	snop  }
0x3b: {  	_ = 	snop  }
0x3c: {  	p2 =	seq.s32 s10, $0x1;
	s10 =	sld [smem:$0x3FB8]  }
0x3d: {  	_ =	shalt  }
0x3e: {  	_ =	shalt  }
0x3f: {  	_ =	shalt  }
0x40: {  	_ =	shalt  }
0x41: {  	_ =	shalt  }
0x42: {  	_ =	shalt  }
0x43: {  	_ =	shalt  }
0x44: {  	_ =	shalt  }
0x45: {  	_ =	shalt  }
0x46: {  	_ =	shalt  }
0x47: {  	_ =	shalt  }
0x48: {  	_ =	shalt  }
0x49: {  	_ =	shalt  }
0x4a: {  	_ =	shalt  }
0x4b: {  	_ =	shalt  }
0x4c: {  	_ =	shalt  }
0x4d: {  	_ =	shalt  }
0x4e: {  	_ =	shalt  }
0x4f: {  	_ =	shalt  }
0x50: {  	_ =	shalt  }
0x51: {  	_ =	shalt  }
0x52: {  	_ =	shalt  }
0x53: {  	_ =	shalt  }
0x54: {  	_ =	shalt  }
0x55: {  	_ =	shalt  }
0x56: {  	_ =	shalt  }
0x57: {  	_ =	shalt  }
0x58: {  	_ =	shalt  }
0x59: {  	_ =	shalt  }
0x5a: {  	_ =	shalt  }
0x5b: {  	_ =	shalt  }
0x5c: {  	_ =	shalt  }
0x5d: {  	_ =	shalt  }
0x5e: {  	_ =	shalt  }
0x5f: {  	_ =	shalt  }
0x60: {  	_ =	shalt  }
0x61: {  	_ =	shalt  }
0x62: {  	_ =	shalt  }
0x63: {  	_ =	shalt  }
0x64: {  	_ =	shalt  }
0x65: {  	_ =	shalt  }
0x66: {  	_ =	shalt  }
0x67: {  	_ =	shalt  }
0x68: {  	_ =	shalt  }
0x69: {  	_ =	shalt  }
0x6a: {  	_ =	shalt  }
0x6b: {  	_ =	shalt  }
0x6c: {  	_ =	shalt  }
0x6d: {  	_ =	shalt  }
0x6e: {  	_ =	shalt  }
0x6f: {  	_ =	shalt  }
0x70: {  	_ =	shalt  }
0x71: {  	_ =	shalt  }
0x72: {  	_ =	shalt  }
0x73: {  	_ =	shalt  }
0x74: {  	_ =	shalt  }
0x75: {  	_ =	shalt  }
0x76: {  	_ =	shalt  }
0x77: {  	_ =	shalt  }
0x78: {  	_ =	shalt  }
0x79: {  	_ =	shalt  }
0x7a: {  	_ =	shalt  }
0x7b: {  	_ =	shalt  }
0x7c: {  	_ =	shalt  }
0x7d: {  	_ =	shalt  }
0x7e: {  	_ =	shalt  }
0x7f: {  	_ =	shalt  }
0x80: {  	_ =	shalt  }
0x81: {  	_ =	shalt  }
0x82: {  	_ =	shalt  }
0x83: {  	_ =	shalt  }
0x84: {  	_ =	shalt  }
0x85: {  	_ =	shalt  }
0x86: {  	_ =	shalt  }
0x87: {  	_ =	shalt  }
.Lfunc_end0:
.L_simem_size_0:
called_computation_lowered:
.L_overlay_start_0:
0x88: {  	s2 =	sld [smem:$0x3FD9]  }
0x89: {  	s3 =	sld [smem:$0x3FFE];
	_ =	sdelay $0x1  }
0x8a: {  	s1 =	srdreg.scid  }
0x8b: {  	s0 =	sand.u32 $0x1, s1  }
0x8c: {  	s17 =	sshll.u32 s0, $0xA;
	s2 =	sadd.s32 s3, s2  }
0x8d: {  	s2 =	sadd.s32 s2, s17  }
0x8e: {  	[smem:$0x3FC4] =	sst s2  }
0x8f: {  	_ = 	snop  }
0x90: {  	s2 =	sld [smem:$0x3FC6];
	(tm) =	ssettm $0x1  }
0x91: {  	s18 =	sld [smem:$0x3FFB];
	_ =	sdelay $0x3  }
0x92: {  	_ =	strace s18  }
0x93: {  	s3 =	sld [smem:$0x3FFC];
	_ =	sdelay $0x3  }
0x94: {  	_ =	strace s3  }
0x95: {  	s3 =	sld [smem:$0x3FFD];
	_ =	sdelay $0x3  }
0x96: {  	_ =	strace s3  }
0x97: {  	_ =	strace $0x8FFFFFFF  }
0x98: {  	s19 =	sld [smem:$0x3FDB];
	_ =	sdelay $0x1  }
0x99: {  	s4 =	simm.s32 $_scs_section_size  }
0x9a: {  	s5 =	simm.s32 $_size__tile_overlayer_lowered;
	s6 =	simm.s32 $_tile_overlayer_lowered  }
0x9b: {  	s22 =	simm.s32 $0x1BFF;
	s21 =	sshll.u32 s6, $0x1;
	s3 =	sadd.s32 s4, s19  }
0x9c: {  	s7 =	simm.s32 $0x0;
	s20 =	sshll.u32 s5, $0x1;
	s5 =	sadd.s32 s21, s3  }
0x9d: {  	[timem:s7], [sflag:s22] =	dma.local [hbm:s5], s20  }
0x9e: {  	_ =	swait.ge [sflag:s22], s20  }
0x9f: {  	s4 =	ssub.s32 $0x0, s20;
	[sflag:s22] =	ssyncset.done $0x0  }
0xa0: {  	[sflag:s22] =	ssyncadd.s32 s4;
	_ =	sdelay $0x1  }
0xa1: {  	s23 =	simm.s32 $0x1B8B  }
0xa2: {  	_ =	swait.ge [sflag:s23], $0x1  }
0xa3: {  	[sflag:s23] =	ssyncset.done $0x0  }
0xa4: {  	s25 =	simm.s32 $0x1B8E;
	s24 =	sld [smem:$0x3FFE];
	[sflag:s23] =	ssyncadd.s32 $0xFFFFFFFF  }
0xa5: {  	s26 =	simm.s32 $execute0_lowered;
	[smem:$0x3FD2] =	sst s25  }
0xa6: {  	s5 =	sshll.u32 s26, $0x1;
	_ =	strace $0x80000046;
	[dreg:$0x1] =	wrdreg $0xFFFFFFFF  }
0xa7: {  	s28 =	simm.s32 $_size_execute0_lowered;
	s3 =	sadd.s32 s3, s5;
	[dreg:$0x0] =	wrdreg $0x0  }
0xa8: {  	s5 =	sshll.u32 s28, $0x1;
	[dreg:$0x2] =	wrdreg s3  }
0xa9: {  	[dreg:$0x3] =	wrdreg s5  }
0xaa: {  	[dreg:$0x4] =	wrdreg $0xC0  }
0xab: {  	_ =	task [dreg:s7], $0x5FFFF  }
0xac: {  	[dreg:$0x1] =	wrdreg $0xFFFFFFFF  }
0xad: {  	[dreg:$0x0] =	wrdreg $0x60  }
0xae: {  	[dreg:$0x2] =	wrdreg s24  }
0xaf: {  	[dreg:$0x3] =	wrdreg s2  }
0xb0: {  	[dreg:$0x4] =	wrdreg $0x9  }
0xb1: {  	_ =	task.clear_ibuf [dreg:s7], $0x5FFFF;
	_ =	strace $0x90000046  }
0xb2: {  	s29 =	simm.s32 $0x9;
	_ =	strace $0x80000048  }
0xb3: {  	_ =	swait.ge [sflag:s29], $0x1  }
0xb4: {  	[sflag:s29] =	ssyncadd.s32 $0xFFFFFFFF  }
0xb5: {  	_ =	strace $0x90000048  }
0xb6: {  	_ =	sfence  }
0xb7: {  	s30 =	sld [smem:$0x0];
	_ =	sdelay $0x2  }
0xb8: {  	s31 =	sshll.u32 s1, $0xD;
	s1 =	sshrl.u32 s1, $0x2  }
0xb9: {  	s3 =	sand.u32 $0x4000, s31;
	s1 =	sadd.s32 s1, s30  }
0xba: {  	s0 =	sor.u32 s3, s0;
	s1 =	sshll.u32 s1, $0x11  }
0xbb: {  	s0 =	sor.u32 s1, s0  }
0xbc: {  	s0 =	sadd.s32 $0x8F2B, s0  }
0xbd: {  	[sflag:s0] =	ssyncadd.remote.s32 $0x1  }
0xbe: {  	_ =	sfence.sel $0xFFFF  }
0xbf: {  	[dreg:$0x0] =	wrdreg $0xFFFFFFFF;
	(pc) =	sbr.abs _section_cstart, $3  }
0xc0: {  	[dreg:$0x1] =	wrdreg $0xFFFFFFFF  }
0xc1: {  	_ =	task.clear_ibuf [dreg:s7], $0x2FFFF;
	_ =	strace $0x9FFFFFFF  }
0xc2: {  	(tm) =	ssettm $0x7FFFFFFF  }
0xc3: {  	_ =	shalt  }
tec
execute0_lowered:
.L_overlay_start_1:
0x0: {  	(tag) =	ssettag $0x1  }
0x1: {  	s4 =	rddreg [dreg:$0x0]  }
0x2: {  	s1 =	srdreg.scid;
	s0 =	stileid.u32  }
0x3: {  	s2 =	rddreg [dreg:$0x1];
	s3 =	simm.s32 $0x0;
	s9 =	simm.s32 $0x1  }
0x4: {  	s10 =	simm.s32 $0x3100;
	s5 =	sand.u32 $0x1, s1;
	s6 =	sshll.u32 s0, $0x1  }
0x5: {  	s11 =	simm.s32 $0x6380;
	s1 =	rddreg [dreg:$0x2];
	s6 =	sor.u32 s5, s6  }
0x6: {  	s12 =	simm.s32 $0x0;
	[smem:$0x7FF] =	sst s3;
	s7 =	smul.u32 $0x620, s6  }
0x7: {  	s5 =	ssub.s32 $0x2, s5;
	_ =	strace $0x80000047;
	s6 =	sshll.u32 s6, $0x1  }
0x8: {  	s8 =	sshrl.u32 s5, $0x1;
	s6 =	sadd.s32 s6, s4;
	s7 =	sadd.s32 s7, s4  }
0x9: {  	s8 =	ssub.s32 s5, s8;
	s6 =	sadd.s32 $0x19A00, s6;
	s4 =	sadd.s32 $0x1200, s7  }
0xa: {  	s5 =	sadd.s32 $0xD600, s7;
	s7 =	smax.u32 s8, $0x1;
	s8 =	simm.s32 $0x6200  }
.LBB2_1:
0xb: {  	[tilespmem:s8], [sflag:$0x1] =	stream.linear.gather [hbm4b:s2+s3], $0x180, $0x38;
	[tilespmem:$0x6400] =	vst v63  }
0xc: {  	_ =	swait.ge [sflag:s9], $0x180  }
0xd: {  	[sflag:s9] =	ssyncset.done $0x0  }
0xe: {  	[sflag:s9] =	ssyncadd.s32 $0xFFFFFE80  }
0xf: {  	[tilespmem:s3], [sflag:$0x1] =	stream.linear.gather [hbm4b:s4+s3], $0x3100, $0x38;
	[tilespmem:$0x6400] =	vst v63  }
0x10: {  	_ =	swait.ge [sflag:s9], $0x3100  }
0x11: {  	[sflag:s9] =	ssyncset.done $0x0  }
0x12: {  	[sflag:s9] =	ssyncadd.s32 $0xFFFFCF00  }
0x13: {  	[tilespmem:s10], [sflag:$0x1] =	stream.linear.gather [hbm4b:s5+s3], $0x3100, $0x38;
	[tilespmem:$0x6400] =	vst v63  }
0x14: {  	_ =	swait.ge [sflag:s9], $0x3100  }
0x15: {  	[sflag:s9] =	ssyncset.done $0x0  }
0x16: {  	s13 =	simm.s32 $0x0;
	[sflag:s9] =	ssyncadd.s32 $0xFFFFCF00  }
0x17: {  	v2 =	vld [tilespmem:s13+$0x0];
	_ =	sdelay $0x6  }
0x18: {  	v1 =	vld [tilespmem:s13+$0x3100]  }
0x19: {  	v0 =	vimm.f32 $0.0e+00;
	s14 =	simm.s32 $0x80;
	s13 =	simm.s32 $0x10;
	v2 =	vld.idx.msk [tilespmem:v2+s8+$0x0], $0xffff  }
.LBB2_2:
0x1a: {  	p0 =	sne.s32 s14, $0xC3C0;
	v3 =	vld [tilespmem:s13+$0x0];
	_ =	sdelay $0x3  }
.Ltmp0:
0x1b: {  	(pc) =	sbr.rel @p0 .LBB2_2-.Ltmp0, $3  }
0x1c: {  	v2 =	vmul.f32 v1, v2;
	_ =	sdelay $0x1  }
0x1d: {  	v0 =	vadd.f32 v2, v0;
	v1 =	vld [tilespmem:s13+$0x3100]  }
0x1e: {  	s13 =	sshra.s32 s14, $0x2;
	s14 =	sadd.s32 $0x40, s14;
	v2 =	vld.idx.msk [tilespmem:v3+s8+$0x0], $0xffff  }
0x1f: {  	v3 =	vld [tilespmem:s13+$0x0];
	_ =	sdelay $0x6  }
0x20: {  	v4 =	vld [tilespmem:s13+$0x3100]  }
0x21: {  	v3 =	vld.idx.msk [tilespmem:v3+s8+$0x0], $0xffff;
	_ =	sdelay $0x2  }
0x22: {  	v1 =	vmul.f32 v1, v2;
	_ =	sdelay $0x1  }
0x23: {  	v0 =	vadd.f32 v1, v0;
	v63 =	vmul.f32 v4, v3;
	_ =	sdelay $0x1  }
0x24: {  	s12 =	sadd.s32 $0x1, s12;
	v0 =	vadd.f32 v63, v0  }
0x25: {  	p0 =	sne.s32 s12, s7  }
.Ltmp1:
0x26: {  	[tilespmem:$0x6380] =	vst v0;
	(pc) =	sbr.rel @p0 .LBB2_1-.Ltmp1, $4  }
0x27: {  	[hbm4b:s6+s3] =	stream.linear.scatter [tilespmem:s11], [sflag:$0x1], $0x10, $0x38;
	[tilespmem:$0x6400] =	vst v63  }
0x28: {  	_ =	swait.ge [sflag:s9], $0x10  }
0x29: {  	[sflag:s9] =	ssyncset.done $0x0  }
0x2a: {  	[sflag:s9] =	ssyncadd.s32 $0xFFFFFFF0  }
0x2b: {  	_ =	sfence.sel $0x180000  }
0x2c: {  	[bflag:$0x0] =	sbarrier.arrive $0xFFFF  }
0x2d: {  	p0 =	sne.s32 s0, $0x0;
	_ =	strace $0x90000047  }
0x2e: {  	s0 =	sadd.s32 @!p0 $0x100000, s1;
	[bflag:$0x2] =	sbarrier.arrive $0xFFFF  }
0x2f: {  	[sflag:s0] =	ssyncadd.tile.s32 @!p0 $0x1;
	_ =	shalt  }
.Lfunc_end2:
_tile_overlayer_lowered:
.L_overlay_start_2:
0x30: {  	(tag) =	ssettag $0x2  }
0x31: {  	s0 =	rddreg [dreg:$0x0];
	s2 =	stileid.u32  }
0x32: {  	s1 =	rddreg [dreg:$0x1];
	p0 =	sne.s32 s2, $0x0  }
0x33: {  	s3 =	rddreg [dreg:$0x2];
	[bflag:$0x3] =	sbarrier.arrive $0xFFFF;
	s2 =	simm.s32 @!p0 $0x1C01  }
0x34: {  	[timem:s3], [sflag:s2] =	dma.local @!p0 [hbm:s0], s1  }
0x35: {  	s0 =	simm.s32 @!p0 $0x1  }
0x36: {  	_ =	swait.ge @!p0 [sflag:s0], s1  }
0x37: {  	s1 =	ssub.s32 @!p0 $0x0, s1;
	[sflag:s0] =	ssyncset.done @!p0 $0x0  }
0x38: {  	[sflag:s0] =	ssyncadd.s32 @!p0 s1  }
0x39: {  	[bflag:$0x3] =	sbarrier.arrive $0xFFFF  }
0x3a: {  	_ =	shalt  }

</sc_bundles>
